<compile_context>
chip_gen: v7x
topology: tpu7x:2x2x1
jax: 0.10.2.dev20260603
libtpu: 0.0.44.dev20260713+nightly
codegen_flags: <defaults>
</compile_context>

<pallas_src>
import jax
import jax.numpy as jnp
from jax.experimental import pallas as pl
from jax.experimental.pallas import tpu as pltpu

_K = 256
_SEED = 42
_NEG = -1e30


def _body(first_ref, data_vmem, g_ref, out_ref, closest, cvec, vbest, vbarg):
    k = pl.program_id(0)
    nchunk, f, _, C = data_vmem.shape
    C8 = 8 * C
    si = jax.lax.broadcasted_iota(jnp.int32, (8, C), 0)
    li = jax.lax.broadcasted_iota(jnp.int32, (8, C), 1)
    ii = si * C + li

    m = jnp.max(vbest[...])
    cand = jnp.where(vbest[...] == m, vbarg[...] * C8 + ii, jnp.int32(2**30))
    sampled = jnp.min(cand)
    idx = jnp.where(k == 0, first_ref[0], sampled)
    ck = idx // C8
    loc = idx - ck * C8
    p8 = loc // C
    j = loc - p8 * C
    chunk0 = data_vmem[ck]
    onehot = ((si == p8) & (li == j)).astype(jnp.float32)
    col = jnp.sum(chunk0 * onehot[None], axis=(1, 2))
    cvec[...] = col[:, None, None]
    out_ref[...] = col[None, :, None]
    vbest[...] = jnp.full((8, C), _NEG, jnp.float32)
    vbarg[...] = jnp.zeros((8, C), jnp.int32)

    def chunk_step(ci, _):
        x = data_vmem[ci]
        d = x - cvec[...]
        newd = jnp.sum(d * d, axis=0)
        cl_new = jnp.where(k == 0, newd, jnp.minimum(closest[ci], newd))
        closest[ci] = cl_new
        s = jnp.log(jnp.maximum(cl_new, 1e-12)) + g_ref[0, ci]
        upd = s > vbest[...]
        vbarg[...] = jnp.where(upd, ci, vbarg[...])
        vbest[...] = jnp.where(upd, s, vbest[...])
        return _

    jax.lax.fori_loop(0, nchunk, chunk_step, 0, unroll=False)


def _kmeanspp(data, kk, nchunk, c, interpret=False, rounds=None):
    if rounds is None:
        rounds = kk
    n, f = data.shape
    c8 = 8 * c
    npad = nchunk * c8
    key = jax.random.key(_SEED)
    first = jax.random.randint(
        jax.random.fold_in(key, 0), (), 0, n).astype(jnp.int32).reshape(1)
    keys = jax.vmap(lambda i: jax.random.fold_in(key, i))(jnp.arange(1, kk))
    g = jax.vmap(lambda kq: jax.random.gumbel(kq, (n,), jnp.float32))(keys)
    g4 = jnp.concatenate(
        [g, jnp.full((kk - 1, npad - n), _NEG, jnp.float32)], axis=1,
    ).reshape(kk - 1, nchunk, 8, c)
    dp = jnp.zeros((npad, f), jnp.float32).at[:n].set(data)
    data4 = dp.reshape(nchunk, 8, c, f).transpose(0, 3, 1, 2)

    grid_spec = pltpu.PrefetchScalarGridSpec(
        num_scalar_prefetch=1,
        grid=(rounds,),
        in_specs=[
            pl.BlockSpec((nchunk, f, 8, c), lambda k, first: (0, 0, 0, 0)),
            pl.BlockSpec((1, nchunk, 8, c),
                         lambda k, first: (jnp.minimum(k, kk - 2), 0, 0, 0)),
        ],
        out_specs=pl.BlockSpec((1, f, 1), lambda k, first: (k, 0, 0)),
        scratch_shapes=[
            pltpu.VMEM((nchunk, 8, c), jnp.float32),
            pltpu.VMEM((f, 1, 1), jnp.float32),
            pltpu.VMEM((8, c), jnp.float32),
            pltpu.VMEM((8, c), jnp.int32),
        ],
    )
    out = pl.pallas_call(
        _body,
        grid_spec=grid_spec,
        out_shape=jax.ShapeDtypeStruct((rounds, f, 1), jnp.float32),
        compiler_params=pltpu.CompilerParams(
            dimension_semantics=("arbitrary",)),
        interpret=interpret,
    )(first, data4, g4)
    return out.reshape(rounds, f)


def kernel(data):
    return _kmeanspp(data, _K, 13, 1024)

# --- scband reference (transcript-rebuilt; emitter-appended) ---
"""Pipeline reference for scband-kmeans-pp-12103217840140 (READ-ONLY COPY).

The authoritative reference and input builder live on the scoring server;
editing this copy changes nothing except your own understanding.
"""

import jax, jax.numpy as jnp
import numpy as np

K = 256


def setup_inputs(seed: int = 0) -> dict:
    key = jax.random.key(seed)
    data = jax.random.normal(key, (100000, 64), dtype=jnp.float32)
    return {"data": data}


def _kmeanspp_indices(data, k, key):
    # Faithful k-means++ seeding (Arthur & Vassilvitskii):
    #  1) pick first center uniformly at random
    #  2) pick each subsequent center with probability proportional to the
    #     squared distance to the nearest already-chosen center
    n = data.shape[0]
    first = jax.random.randint(jax.random.fold_in(key, 0), (), 0, n)
    first = first.astype(jnp.int32)
    closest0 = jnp.sum((data - data[first]) ** 2, axis=1)
    indices0 = jnp.zeros((k,), dtype=jnp.int32).at[0].set(first)

    def body(i, carry):
        closest, indices = carry
        # sample index with prob proportional to closest (D^2 weighting)
        logits = jnp.log(jnp.maximum(closest, 1e-12))
        idx = jax.random.categorical(jax.random.fold_in(key, i), logits)
        idx = idx.astype(jnp.int32)
        newd = jnp.sum((data - data[idx]) ** 2, axis=1)
        closest = jnp.minimum(closest, newd)
        indices = indices.at[i].set(idx)
        return (closest, indices)

    closest, indices = jax.lax.fori_loop(1, k, body, (closest0, indices0))
    return indices


def reference(data):
    # KMeansPP.forward(data) with return_indices=False -> centroids only.
    # Index selection is non-differentiable (matches the custom autograd Function,
    # where only the gather centroids = data[indices] carries gradient).
    indices = _kmeanspp_indices(jax.lax.stop_gradient(data), K, jax.random.key(42))
    centroids = jnp.take(data, indices, axis=0)
    return centroids

if __name__ == "__main__":
    import jax
    _d = setup_inputs()
    print(jax.jit(kernel)(*tuple(_d.values())))

</pallas_src>

<mosaic_0001>
module attributes {stable_mosaic.version = 14 : i64} {
  func.func @_body(%arg0: i32, %arg1: memref<1xi32, #tpu.memory_space<smem>>, %arg2: memref<13x64x8x1024xf32, #tpu.memory_space<vmem>>, %arg3: memref<1x13x8x1024xf32, #tpu.memory_space<vmem>>, %arg4: memref<1x64x1xf32, #tpu.memory_space<vmem>>, %arg5: memref<13x8x1024xf32, #tpu.memory_space<vmem>>, %arg6: memref<64x1x1xf32, #tpu.memory_space<vmem>>, %arg7: memref<8x1024xf32, #tpu.memory_space<vmem>>, %arg8: memref<8x1024xi32, #tpu.memory_space<vmem>>) attributes {dimension_semantics = [#tpu.dimension_semantics<arbitrary>], iteration_bounds = array<i64: 256>, scalar_prefetch = 1 : i64, scratch_operands = 4 : i64, tpu.core_type = #tpu.core_type<tc>, window_params = [{pipeline_mode = #tpu.pipeline_mode<synchronous>, transform_indices = @transform_0, window_bounds = array<i64: 13, 64, 8, 1024>}, {transform_indices = @transform_1, window_bounds = array<i64: 1, 13, 8, 1024>}, {transform_indices = @transform_2, window_bounds = array<i64: 1, 64, 1>}]} {
    %iota3A = tpu.iota {dimensions = array<i32: 0>} : vector<8x1024xi32>
    %iota3A_0 = tpu.iota {dimensions = array<i32: 1>} : vector<8x1024xi32>
    %mul3A = arith.constant 1024 : i32
    %mul3A_1 = vector.broadcast %mul3A : i32 to vector<8x1024xi32>
    %mul3A_2 = arith.muli %iota3A, %mul3A_1 : vector<8x1024xi32>
    %add3A = arith.addi %mul3A_2, %iota3A_0 : vector<8x1024xi32>
    %get3A = arith.constant 0 : index
    %get3A_3 = arith.constant 0 : index
    %get3A_4 = vector.load %arg7[%get3A, %get3A_3] : memref<8x1024xf32, #tpu.memory_space<vmem>>, vector<8x1024xf32>
    %reduce_max3A = vector.shape_cast %get3A_4 : vector<8x1024xf32> to vector<1x8x1024xf32>
    %reduce_max3A_5 = arith.constant dense<0xFF800000> : vector<1xf32>
    %reduce_max3A_6 = vector.multi_reduction <maximumf>, %reduce_max3A, %reduce_max3A_5 [1, 2] : vector<1x8x1024xf32> to vector<1xf32>
    %reduce_max3A_7 = vector.shape_cast %reduce_max3A_6 : vector<1xf32> to vector<1x1x1xf32>
    %reduce_max3A_8 = vector.extract %reduce_max3A_7[0, 0, 0] : f32 from vector<1x1x1xf32>
    %get3A_9 = arith.constant 0 : index
    %get3A_10 = arith.constant 0 : index
    %get3A_11 = vector.load %arg7[%get3A_9, %get3A_10] : memref<8x1024xf32, #tpu.memory_space<vmem>>, vector<8x1024xf32>
    %eq3A = vector.broadcast %reduce_max3A_8 : f32 to vector<8x1024xf32>
    %eq3A_12 = arith.cmpf oeq, %get3A_11, %eq3A : vector<8x1024xf32>
    %get3A_13 = arith.constant 0 : index
    %get3A_14 = arith.constant 0 : index
    %get3A_15 = vector.load %arg8[%get3A_13, %get3A_14] : memref<8x1024xi32, #tpu.memory_space<vmem>>, vector<8x1024xi32>
    %mul3A_16 = arith.constant 8192 : i32
    %mul3A_17 = vector.broadcast %mul3A_16 : i32 to vector<8x1024xi32>
    %mul3A_18 = arith.muli %get3A_15, %mul3A_17 : vector<8x1024xi32>
    %add3A_19 = arith.addi %mul3A_18, %add3A : vector<8x1024xi32>
    %jit3A = arith.constant 1073741824 : i32
    %broadcast_in_dim3A = vector.broadcast %jit3A : i32 to vector<8x1024xi32>
    %select_n3A = arith.select %eq3A_12, %add3A_19, %broadcast_in_dim3A : vector<8x1024xi1>, vector<8x1024xi32>
    %reduce_min3A = vector.shape_cast %select_n3A : vector<8x1024xi32> to vector<1x8x1024xi32>
    %reduce_min3A_20 = arith.constant dense<2147483647> : vector<1xi32>
    %reduce_min3A_21 = vector.multi_reduction <minsi>, %reduce_min3A, %reduce_min3A_20 [1, 2] : vector<1x8x1024xi32> to vector<1xi32>
    %reduce_min3A_22 = vector.shape_cast %reduce_min3A_21 : vector<1xi32> to vector<1x1x1xi32>
    %reduce_min3A_23 = vector.extract %reduce_min3A_22[0, 0, 0] : i32 from vector<1x1x1xi32>
    %eq3A_24 = arith.constant 0 : i32
    %eq3A_25 = arith.cmpi eq, %arg0, %eq3A_24 : i32
    %get3A_26 = arith.constant 0 : index
    %get3A_27 = memref.load %arg1[%get3A_26] : memref<1xi32, #tpu.memory_space<smem>>
    %select_n3A_28 = arith.select %eq3A_25, %get3A_27, %reduce_min3A_23 : i32
    %jit3A_29 = arith.constant 8192 : i32
    %div3A = arith.divsi %select_n3A_28, %jit3A_29 : i32
    %sign3A = arith.constant 0 : i32
    %sign3A_30 = arith.cmpi sgt, %select_n3A_28, %sign3A : i32
    %sign3A_31 = arith.extui %sign3A_30 : i1 to i32
    %sign3A_32 = arith.constant 0 : i32
    %sign3A_33 = arith.cmpi slt, %select_n3A_28, %sign3A_32 : i32
    %sign3A_34 = arith.extui %sign3A_33 : i1 to i32
    %sign3A_35 = arith.subi %sign3A_31, %sign3A_34 : i32
    %sign3A_36 = arith.constant 0 : i32
    %sign3A_37 = arith.cmpi sgt, %jit3A_29, %sign3A_36 : i32
    %sign3A_38 = arith.extui %sign3A_37 : i1 to i32
    %sign3A_39 = arith.constant 0 : i32
    %sign3A_40 = arith.cmpi slt, %jit3A_29, %sign3A_39 : i32
    %sign3A_41 = arith.extui %sign3A_40 : i1 to i32
    %sign3A_42 = arith.subi %sign3A_38, %sign3A_41 : i32
    %ne3A = arith.cmpi ne, %sign3A_35, %sign3A_42 : i32
    %rem3A = arith.remsi %select_n3A_28, %jit3A_29 : i32
    %ne3A_43 = arith.constant 0 : i32
    %ne3A_44 = arith.cmpi ne, %rem3A, %ne3A_43 : i32
    %and3A = arith.andi %ne3A, %ne3A_44 : i1
    %sub3A = arith.constant 1 : i32
    %sub3A_45 = arith.subi %div3A, %sub3A : i32
    %select_n3A_46 = arith.select %and3A, %sub3A_45, %div3A : i32
    %mul3A_47 = arith.constant 8192 : i32
    %mul3A_48 = arith.muli %select_n3A_46, %mul3A_47 : i32
    %sub3A_49 = arith.subi %select_n3A_28, %mul3A_48 : i32
    %jit3A_50 = arith.constant 1024 : i32
    %div3A_51 = arith.divsi %sub3A_49, %jit3A_50 : i32
    %sign3A_52 = arith.constant 0 : i32
    %sign3A_53 = arith.cmpi sgt, %sub3A_49, %sign3A_52 : i32
    %sign3A_54 = arith.extui %sign3A_53 : i1 to i32
    %sign3A_55 = arith.constant 0 : i32
    %sign3A_56 = arith.cmpi slt, %sub3A_49, %sign3A_55 : i32
    %sign3A_57 = arith.extui %sign3A_56 : i1 to i32
    %sign3A_58 = arith.subi %sign3A_54, %sign3A_57 : i32
    %sign3A_59 = arith.constant 0 : i32
    %sign3A_60 = arith.cmpi sgt, %jit3A_50, %sign3A_59 : i32
    %sign3A_61 = arith.extui %sign3A_60 : i1 to i32
    %sign3A_62 = arith.constant 0 : i32
    %sign3A_63 = arith.cmpi slt, %jit3A_50, %sign3A_62 : i32
    %sign3A_64 = arith.extui %sign3A_63 : i1 to i32
    %sign3A_65 = arith.subi %sign3A_61, %sign3A_64 : i32
    %ne3A_66 = arith.cmpi ne, %sign3A_58, %sign3A_65 : i32
    %rem3A_67 = arith.remsi %sub3A_49, %jit3A_50 : i32
    %ne3A_68 = arith.constant 0 : i32
    %ne3A_69 = arith.cmpi ne, %rem3A_67, %ne3A_68 : i32
    %and3A_70 = arith.andi %ne3A_66, %ne3A_69 : i1
    %sub3A_71 = arith.constant 1 : i32
    %sub3A_72 = arith.subi %div3A_51, %sub3A_71 : i32
    %select_n3A_73 = arith.select %and3A_70, %sub3A_72, %div3A_51 : i32
    %mul3A_74 = arith.constant 1024 : i32
    %mul3A_75 = arith.muli %select_n3A_73, %mul3A_74 : i32
    %sub3A_76 = arith.subi %sub3A_49, %mul3A_75 : i32
    %get3A_77 = arith.index_cast %select_n3A_46 : i32 to index
    %get3A_78 = arith.constant 0 : index
    %get3A_79 = arith.constant 0 : index
    %get3A_80 = arith.constant 0 : index
    %get3A_81 = vector.load %arg2[%get3A_77, %get3A_78, %get3A_79, %get3A_80] : memref<13x64x8x1024xf32, #tpu.memory_space<vmem>>, vector<1x64x8x1024xf32>
    %get3A_82 = vector.shape_cast %get3A_81 : vector<1x64x8x1024xf32> to vector<64x8x1024xf32>
    %eq3A_83 = vector.broadcast %select_n3A_73 : i32 to vector<8x1024xi32>
    %eq3A_84 = arith.cmpi eq, %iota3A, %eq3A_83 : vector<8x1024xi32>
    %eq3A_85 = vector.broadcast %sub3A_76 : i32 to vector<8x1024xi32>
    %eq3A_86 = arith.cmpi eq, %iota3A_0, %eq3A_85 : vector<8x1024xi32>
    %and3A_87 = arith.andi %eq3A_84, %eq3A_86 : vector<8x1024xi1>
    %convert_element_type3A = arith.extui %and3A_87 : vector<8x1024xi1> to vector<8x1024xi32>
    %convert_element_type3A_88 = arith.sitofp %convert_element_type3A : vector<8x1024xi32> to vector<8x1024xf32>
    %broadcast_in_dim3A_89 = vector.shape_cast %convert_element_type3A_88 : vector<8x1024xf32> to vector<1x8x1024xf32>
    %mul3A_90 = vector.broadcast %broadcast_in_dim3A_89 : vector<1x8x1024xf32> to vector<64x8x1024xf32>
    %mul3A_91 = arith.mulf %get3A_82, %mul3A_90 : vector<64x8x1024xf32>
    %reduce_sum3A = arith.constant dense<0.000000e+00> : vector<64xf32>
    %reduce_sum3A_92 = vector.multi_reduction <add>, %mul3A_91, %reduce_sum3A [1, 2] : vector<64x8x1024xf32> to vector<64xf32>
    %broadcast_in_dim3A_93 = vector.shape_cast %reduce_sum3A_92 : vector<64xf32> to vector<64x1x1xf32>
    %swap3A = arith.constant 0 : index
    %swap3A_94 = arith.constant 0 : index
    %swap3A_95 = arith.constant 0 : index
    %swap3A_96 = vector.load %arg6[%swap3A, %swap3A_94, %swap3A_95] : memref<64x1x1xf32, #tpu.memory_space<vmem>>, vector<64x1x1xf32>
    tpu.vector_store %arg6[%swap3A, %swap3A_94, %swap3A_95], %broadcast_in_dim3A_93 {strides = array<i32>} : memref<64x1x1xf32, #tpu.memory_space<vmem>>, vector<64x1x1xf32>,
    %broadcast_in_dim3A_97 = vector.shape_cast %reduce_sum3A_92 : vector<64xf32> to vector<1x64x1xf32>
    %swap3A_98 = arith.constant 0 : index
    %swap3A_99 = arith.constant 0 : index
    %swap3A_100 = arith.constant 0 : index
    %swap3A_101 = vector.load %arg4[%swap3A_98, %swap3A_99, %swap3A_100] : memref<1x64x1xf32, #tpu.memory_space<vmem>>, vector<1x64x1xf32>
    tpu.vector_store %arg4[%swap3A_98, %swap3A_99, %swap3A_100], %broadcast_in_dim3A_97 {strides = array<i32>} : memref<1x64x1xf32, #tpu.memory_space<vmem>>, vector<1x64x1xf32>,
    %broadcast_in_dim3A_102 = arith.constant -1.000000e+30 : f32
    %broadcast_in_dim3A_103 = vector.broadcast %broadcast_in_dim3A_102 : f32 to vector<8x1024xf32>
    %swap3A_104 = arith.constant 0 : index
    %swap3A_105 = arith.constant 0 : index
    %swap3A_106 = vector.load %arg7[%swap3A_104, %swap3A_105] : memref<8x1024xf32, #tpu.memory_space<vmem>>, vector<8x1024xf32>
    tpu.vector_store %arg7[%swap3A_104, %swap3A_105], %broadcast_in_dim3A_103 {strides = array<i32>} : memref<8x1024xf32, #tpu.memory_space<vmem>>, vector<8x1024xf32>,
    %broadcast_in_dim3A_107 = arith.constant 0 : i32
    %broadcast_in_dim3A_108 = vector.broadcast %broadcast_in_dim3A_107 : i32 to vector<8x1024xi32>
    %swap3A_109 = arith.constant 0 : index
    %swap3A_110 = arith.constant 0 : index
    %swap3A_111 = vector.load %arg8[%swap3A_109, %swap3A_110] : memref<8x1024xi32, #tpu.memory_space<vmem>>, vector<8x1024xi32>
    tpu.vector_store %arg8[%swap3A_109, %swap3A_110], %broadcast_in_dim3A_108 {strides = array<i32>} : memref<8x1024xi32, #tpu.memory_space<vmem>>, vector<8x1024xi32>,
    %scan3A = arith.constant 0 : i32
    %scan3A_112 = arith.constant 13 : i32
    %scan3A_113 = arith.addi %scan3A, %scan3A_112 : i32
    %scan3A_114 = arith.constant 1 : i32
    scf.for %scan3A_116 = %scan3A to %scan3A_113 step %scan3A_114  : i32 {
      %get3A_117 = arith.index_cast %scan3A_116 : i32 to index
      %get3A_118 = arith.constant 0 : index
      %get3A_119 = arith.constant 0 : index
      %get3A_120 = arith.constant 0 : index
      %get3A_121 = vector.load %arg2[%get3A_117, %get3A_118, %get3A_119, %get3A_120] : memref<13x64x8x1024xf32, #tpu.memory_space<vmem>>, vector<1x64x8x1024xf32>
      %get3A_122 = vector.shape_cast %get3A_121 : vector<1x64x8x1024xf32> to vector<64x8x1024xf32>
      %get3A_123 = arith.constant 0 : index
      %get3A_124 = arith.constant 0 : index
      %get3A_125 = arith.constant 0 : index
      %get3A_126 = vector.load %arg6[%get3A_123, %get3A_124, %get3A_125] : memref<64x1x1xf32, #tpu.memory_space<vmem>>, vector<64x1x1xf32>
      %sub3A_127 = vector.broadcast %get3A_126 : vector<64x1x1xf32> to vector<64x8x1024xf32>
      %sub3A_128 = arith.subf %get3A_122, %sub3A_127 : vector<64x8x1024xf32>
      %mul3A_129 = arith.mulf %sub3A_128, %sub3A_128 : vector<64x8x1024xf32>
      %reduce_sum3A_130 = arith.constant dense<0.000000e+00> : vector<8x1024xf32>
      %reduce_sum3A_131 = vector.multi_reduction <add>, %mul3A_129, %reduce_sum3A_130 [0] : vector<64x8x1024xf32> to vector<8x1024xf32>
      %eq3A_132 = arith.constant 0 : i32
      %eq3A_133 = arith.cmpi eq, %arg0, %eq3A_132 : i32
      %get3A_134 = arith.index_cast %scan3A_116 : i32 to index
      %get3A_135 = arith.constant 0 : index
      %get3A_136 = arith.constant 0 : index
      %get3A_137 = vector.load %arg5[%get3A_134, %get3A_135, %get3A_136] : memref<13x8x1024xf32, #tpu.memory_space<vmem>>, vector<1x8x1024xf32>
      %get3A_138 = vector.shape_cast %get3A_137 : vector<1x8x1024xf32> to vector<8x1024xf32>
      %min3A = arith.minimumf %get3A_138, %reduce_sum3A_131 : vector<8x1024xf32>
      %select_n3A_139 = arith.select %eq3A_133, %reduce_sum3A_131, %min3A : vector<8x1024xf32>
      %swap3A_140 = arith.index_cast %scan3A_116 : i32 to index
      %swap3A_141 = arith.constant 0 : index
      %swap3A_142 = arith.constant 0 : index
      %swap3A_143 = vector.load %arg5[%swap3A_140, %swap3A_141, %swap3A_142] : memref<13x8x1024xf32, #tpu.memory_space<vmem>>, vector<1x8x1024xf32>
      %swap3A_144 = vector.shape_cast %swap3A_143 : vector<1x8x1024xf32> to vector<8x1024xf32>
      %swap3A_145 = vector.shape_cast %select_n3A_139 : vector<8x1024xf32> to vector<1x8x1024xf32>
      tpu.vector_store %arg5[%swap3A_140, %swap3A_141, %swap3A_142], %swap3A_145 {strides = array<i32>} : memref<13x8x1024xf32, #tpu.memory_space<vmem>>, vector<1x8x1024xf32>,
      %max3A = arith.constant 9.99999996E-13 : f32
      %max3A_146 = vector.broadcast %max3A : f32 to vector<8x1024xf32>
      %max3A_147 = arith.maximumf %select_n3A_139, %max3A_146 : vector<8x1024xf32>
      %log3A = math.log %max3A_147 : vector<8x1024xf32>
      %get3A_148 = arith.constant 0 : index
      %get3A_149 = arith.index_cast %scan3A_116 : i32 to index
      %get3A_150 = arith.constant 0 : index
      %get3A_151 = arith.constant 0 : index
      %get3A_152 = vector.load %arg3[%get3A_148, %get3A_149, %get3A_150, %get3A_151] : memref<1x13x8x1024xf32, #tpu.memory_space<vmem>>, vector<1x1x8x1024xf32>
      %get3A_153 = vector.shape_cast %get3A_152 : vector<1x1x8x1024xf32> to vector<8x1024xf32>
      %add3A_154 = arith.addf %log3A, %get3A_153 : vector<8x1024xf32>
      %get3A_155 = arith.constant 0 : index
      %get3A_156 = arith.constant 0 : index
      %get3A_157 = vector.load %arg7[%get3A_155, %get3A_156] : memref<8x1024xf32, #tpu.memory_space<vmem>>, vector<8x1024xf32>
      %gt3A = arith.cmpf ogt, %add3A_154, %get3A_157 : vector<8x1024xf32>
      %get3A_158 = arith.constant 0 : index
      %get3A_159 = arith.constant 0 : index
      %get3A_160 = vector.load %arg8[%get3A_158, %get3A_159] : memref<8x1024xi32, #tpu.memory_space<vmem>>, vector<8x1024xi32>
      %broadcast_in_dim3A_161 = vector.broadcast %scan3A_116 : i32 to vector<8x1024xi32>
      %select_n3A_162 = arith.select %gt3A, %broadcast_in_dim3A_161, %get3A_160 : vector<8x1024xi1>, vector<8x1024xi32>
      %swap3A_163 = arith.constant 0 : index
      %swap3A_164 = arith.constant 0 : index
      %swap3A_165 = vector.load %arg8[%swap3A_163, %swap3A_164] : memref<8x1024xi32, #tpu.memory_space<vmem>>, vector<8x1024xi32>
      tpu.vector_store %arg8[%swap3A_163, %swap3A_164], %select_n3A_162 {strides = array<i32>} : memref<8x1024xi32, #tpu.memory_space<vmem>>, vector<8x1024xi32>,
      %get3A_166 = arith.constant 0 : index
      %get3A_167 = arith.constant 0 : index
      %get3A_168 = vector.load %arg7[%get3A_166, %get3A_167] : memref<8x1024xf32, #tpu.memory_space<vmem>>, vector<8x1024xf32>
      %select_n3A_169 = arith.select %gt3A, %add3A_154, %get3A_168 : vector<8x1024xi1>, vector<8x1024xf32>
      %swap3A_170 = arith.constant 0 : index
      %swap3A_171 = arith.constant 0 : index
      %swap3A_172 = vector.load %arg7[%swap3A_170, %swap3A_171] : memref<8x1024xf32, #tpu.memory_space<vmem>>, vector<8x1024xf32>
      tpu.vector_store %arg7[%swap3A_170, %swap3A_171], %select_n3A_169 {strides = array<i32>} : memref<8x1024xf32, #tpu.memory_space<vmem>>, vector<8x1024xf32>,
    }
    %scan3A_115 = arith.constant 13 : i32
    return
  }
  func.func @transform_0(%arg0: i32, %arg1: memref<1xi32, #tpu.memory_space<smem>>) -> (i32, i32, i32, i32) {
    %c0_i32 = arith.constant 0 : i32
    %c0_i32_0 = arith.constant 0 : i32
    %c0_i32_1 = arith.constant 0 : i32
    %c0_i32_2 = arith.constant 0 : i32
    %c0_i32_3 = arith.constant 0 : i32
    return %c0_i32, %c0_i32_0, %c0_i32_1, %c0_i32_2 : i32, i32, i32, i32
  }
  func.func @transform_1(%arg0: i32, %arg1: memref<1xi32, #tpu.memory_space<smem>>) -> (i32, i32, i32, i32) {
    %min3A = arith.constant 254 : i32
    %min3A_0 = arith.minsi %arg0, %min3A : i32
    %c0_i32 = arith.constant 0 : i32
    %c0_i32_1 = arith.constant 0 : i32
    %c0_i32_2 = arith.constant 0 : i32
    %c0_i32_3 = arith.constant 0 : i32
    return %min3A_0, %c0_i32, %c0_i32_1, %c0_i32_2 : i32, i32, i32, i32
  }
  func.func @transform_2(%arg0: i32, %arg1: memref<1xi32, #tpu.memory_space<smem>>) -> (i32, i32, i32) {
    %c0_i32 = arith.constant 0 : i32
    %c0_i32_0 = arith.constant 0 : i32
    %c0_i32_1 = arith.constant 0 : i32
    return %arg0, %c0_i32, %c0_i32_0 : i32, i32, i32
  }
}

</mosaic_0001>

<sc_bundles>
// kernel: sparse-core-data-format-call.cloned.1.call-start
scs
called_computation_lowered:
.L_overlay_start_0:
0x0: {  	s1 =	sld [smem:$0x3FD9]  }
0x1: {  	s2 =	sld [smem:$0x3FFE];
	_ =	sdelay $0x1  }
0x2: {  	s3 =	srdreg.scid  }
0x3: {  	s0 =	sand.u32 $0x1, s3  }
0x4: {  	s17 =	sshll.u32 s0, $0xA;
	s1 =	sadd.s32 s2, s1  }
0x5: {  	s1 =	sadd.s32 s1, s17  }
0x6: {  	[smem:$0x3FC7] =	sst s1  }
0x7: {  	_ = 	snop  }
0x8: {  	(tm) =	ssettm $0x1  }
0x9: {  	s18 =	sld [smem:$0x3FFB];
	_ =	sdelay $0x3  }
0xa: {  	_ =	strace s18  }
0xb: {  	s1 =	sld [smem:$0x3FFC];
	_ =	sdelay $0x3  }
0xc: {  	_ =	strace s1  }
0xd: {  	s1 =	sld [smem:$0x3FFD];
	_ =	sdelay $0x3  }
0xe: {  	_ =	strace s1  }
0xf: {  	_ =	strace $0x8FFFFFFF  }
0x10: {  	s19 =	sld [smem:$0x3FDB];
	_ =	sdelay $0x1  }
0x11: {  	s20 =	simm.s32 $_scs_section_size  }
0x12: {  	s4 =	simm.s32 $_size__tile_overlayer_lowered;
	s5 =	simm.s32 $_tile_overlayer_lowered  }
0x13: {  	s23 =	simm.s32 $0x1BFF;
	s22 =	sshll.u32 s5, $0x1;
	s1 =	sadd.s32 s20, s19  }
0x14: {  	s6 =	simm.s32 $0x0;
	s21 =	sshll.u32 s4, $0x1;
	s4 =	sadd.s32 s22, s1  }
0x15: {  	[timem:s6], [sflag:s23] =	dma.local [hbm:s4], s21  }
0x16: {  	_ =	swait.ge [sflag:s23], s21  }
0x17: {  	s2 =	ssub.s32 $0x0, s21;
	[sflag:s23] =	ssyncset.done $0x0  }
0x18: {  	[sflag:s23] =	ssyncadd.s32 s2;
	_ =	sdelay $0x1  }
0x19: {  	s24 =	simm.s32 $0x1B8B  }
0x1a: {  	_ =	swait.ge [sflag:s24], $0x1  }
0x1b: {  	[sflag:s24] =	ssyncset.done $0x0  }
0x1c: {  	s26 =	simm.s32 $0x1B8E;
	s25 =	sld [smem:$0x3FFE];
	[sflag:s24] =	ssyncadd.s32 $0xFFFFFFFF  }
0x1d: {  	s27 =	simm.s32 $execute0_lowered;
	[smem:$0x3FD2] =	sst s26  }
0x1e: {  	s4 =	sshll.u32 s27, $0x1;
	_ =	strace $0x80000046;
	[dreg:$0x1] =	wrdreg $0xFFFFFFFF  }
0x1f: {  	s28 =	simm.s32 $_size_execute0_lowered;
	s1 =	sadd.s32 s1, s4;
	[dreg:$0x0] =	wrdreg $0x0  }
0x20: {  	s4 =	sshll.u32 s28, $0x1;
	[dreg:$0x2] =	wrdreg s1  }
0x21: {  	[dreg:$0x3] =	wrdreg s4  }
0x22: {  	[dreg:$0x4] =	wrdreg $0xC0  }
0x23: {  	_ =	task [dreg:s6], $0x5FFFF  }
0x24: {  	[dreg:$0x1] =	wrdreg $0xFFFFFFFF  }
0x25: {  	[dreg:$0x0] =	wrdreg $0x60  }
0x26: {  	[dreg:$0x2] =	wrdreg s25  }
0x27: {  	[dreg:$0x3] =	wrdreg $0x9  }
0x28: {  	_ =	task.clear_ibuf [dreg:s6], $0x4FFFF;
	_ =	strace $0x90000046  }
0x29: {  	s29 =	simm.s32 $0x9;
	_ =	strace $0x80000048  }
0x2a: {  	_ =	swait.ge [sflag:s29], $0x1  }
0x2b: {  	[sflag:s29] =	ssyncadd.s32 $0xFFFFFFFF  }
0x2c: {  	_ =	strace $0x90000048  }
0x2d: {  	_ =	sfence  }
0x2e: {  	s30 =	sld [smem:$0x0];
	_ =	sdelay $0x2  }
0x2f: {  	s31 =	sshll.u32 s3, $0xD;
	s3 =	sshrl.u32 s3, $0x2  }
0x30: {  	s2 =	sand.u32 $0x4000, s31;
	s1 =	sadd.s32 s3, s30  }
0x31: {  	s0 =	sor.u32 s2, s0;
	s1 =	sshll.u32 s1, $0x11  }
0x32: {  	s0 =	sor.u32 s1, s0  }
0x33: {  	s0 =	sadd.s32 $0x8F2B, s0  }
0x34: {  	[sflag:s0] =	ssyncadd.remote.s32 $0x1  }
0x35: {  	_ =	sfence.sel $0xFFFF  }
0x36: {  	[dreg:$0x0] =	wrdreg $0xFFFFFFFF;
	(pc) =	sbr.abs _section_cstart, $3  }
0x37: {  	[dreg:$0x1] =	wrdreg $0xFFFFFFFF  }
0x38: {  	_ =	task.clear_ibuf [dreg:s6], $0x2FFFF;
	_ =	strace $0x9FFFFFFF  }
0x39: {  	(tm) =	ssettm $0x7FFFFFFF  }
tec
execute0_lowered:
.L_overlay_start_1:
0x0: {  	(tag) =	ssettag $0x1  }
0x1: {  	s1 =	rddreg [dreg:$0x0]  }
0x2: {  	s0 =	rddreg [dreg:$0x1];
	_ =	strace $0x80000047  }
0x3: {  	s4 =	srdreg.scid;
	s6 =	simm.s32 $0x2;
	s12 =	simm.s32 $0x0  }
0x4: {  	p0 =	por $0x0, $0x0;
	s13 =	simm.s32 $0x0;
	s14 =	simm.s32 $0x0  }
0x5: {  	s15 =	simm.s32 $0x0;
	s8 =	simm.s32 $0x0;
	s9 =	simm.s32 $0x0  }
.Ltmp0:
0x6: {  	s10 =	simm.s32 $0x0;
	s7 =	simm.s32 $0x0;
	(pc) =	sbr.rel .LBB1_1-.Ltmp0, $4  }
0x7: {  	s2 =	sadd.s32 $0x30E800, s1;
	s3 =	sadd.s32 $0x64E800, s1;
	s5 =	sshll.u32 s4, $0x4  }
0x8: {  	s1 =	stileid.u32;
	s4 =	simm.s32 $0x1;
	s5 =	sand.u32 $0x10, s5  }
0x9: {  	s21 =	simm.s32 $0x0;
	[sflag:s4] =	ssyncpa.u1 $0x0;
	s5 =	sor.u32 s1, s5  }
0xa: {  	[sflag:s6] =	ssyncpa.u1 $0x0;
	s6 =	simm.s32 $0x1A000;
	s11 =	smov.u32 s5  }
.LBB1_7:
0xb: {  	s16 =	sadd.s32 $0x100, s8  }
0xc: {  	s12 =	sadd.s32 $0x8, s9;
	s17 =	smov.u32 s9;
	p2 =	sgt.s32 s16, $0x3FF  }
0xd: {  	s17 =	smov.u32 @p2 s12  }
0xe: {  	s18 =	smov.u32 s10;
	s12 =	sadd.s32 $0x8, s10;
	p3 =	sgt.s32 s17, $0x7  }
0xf: {  	s18 =	smov.u32 @p3 s12  }
0x10: {  	s19 =	smov.u32 s11;
	s12 =	sadd.s32 $0x20, s11;
	p4 =	sgt.s32 s18, $0x67  }
0x11: {  	p1 =	slt.u32 s7, $0x2;
	s19 =	smov.u32 @p4 s12  }
0x12: {  	s7 =	sadd.s32 $0x1, s7;
	s16 =	simm.s32 @p2 $0x0;
	p2 =	sgt.s32 s19, $0x1F  }
0x13: {  	s20 =	simm.s32 @!p1 $0x2;
	s19 =	smov.u32 @p2 s5;
	p2 =	sne.s32 s7, $0x36  }
.Ltmp1:
0x14: {  	s13 =	smov.u32 s9;
	_ =	swait.ge @!p1 [sflag:s20], $0x4000;
	(pc) =	sbr.rel @!p2 .LBB1_8-.Ltmp1, $4  }
0x15: {  	s14 =	smov.u32 s10;
	s15 =	smov.u32 s11;
	[sflag:s20] =	ssyncset.done @!p1 $0x0  }
0x16: {  	p0 =	por !p0, !p0;
	s17 =	simm.s32 @p3 $0x0;
	[sflag:s20] =	ssyncadd.s32 @!p1 $0xFFFFC000  }
0x17: {  	s9 =	smov.u32 s17;
	s18 =	simm.s32 @p4 $0x0;
	s12 =	smov.u32 s8  }
0x18: {  	s8 =	smov.u32 s16;
	s10 =	smov.u32 s18;
	s11 =	smov.u32 s19  }
.LBB1_1:
0x19: {  	p1 =	sgt.u32 s7, $0x33  }
0x1a: {  	s16 =	sxor.u32 @!p1 $0xFFFFFFFF, s7  }
0x1b: {  	s17 =	sshll.u32 @!p1 s9, $0x7;
	s18 =	smul.u32 @!p1 $0x1A000, s11;
	s19 =	sand.u32 @!p1 $0x78, s8  }
0x1c: {  	s20 =	sand.u32 @!p1 $0x380, s8;
	s16 =	sshll.u32 @!p1 s16, $0xE;
	s17 =	sand.u32 @!p1 $0x380, s17  }
0x1d: {  	s17 =	sor.u32 @!p1 s19, s17;
	s19 =	sshll.u32 @!p1 s10, $0xA;
	s18 =	sadd.s32 @!p1 s2, s18  }
0x1e: {  	s16 =	sand.u32 @!p1 $0x4000, s16;
	s18 =	sadd.s32 @!p1 s19, s18;
	s19 =	sand.u32 @!p1 $0x7, s8  }
0x1f: {  	s17 =	sshrl.u32 @!p1 s17, $0x3;
	s18 =	sadd.s32 @!p1 s20, s18;
	s19 =	sshll.u32 @!p1 s19, $0x12  }
0x20: {  	s17 =	sadd.s32 @!p1 s17, s18;
	s18 =	sor.u32 @!p1 $0x800, s19;
	s19 =	simm.s32 @!p1 $0x2000  }
0x21: {  	[tilespmem:s16], [sflag:$0x1] =	stream.strided.gather @!p1 [hbm4b:s17+s18], $0x4000, s19, s18, $0x38;
	[tilespmem:$0x10000] =	vst v63  }
0x22: {  	p1 =	seq.s32 s7, $0x0  }
0x23: {  	p2 =	seq.s32 @!p1 s7, $0x35  }
0x24: {  	p1 =	por p1, p2  }
.Ltmp2:
0x25: {  	_ = 	snop;
	(pc) =	sbr.rel @p1 .LBB1_7-.Ltmp2, $1  }
0x26: {  	_ =	sdelay $0x3  }
0x27: {  	s16 =	simm.s32 $0x1  }
0x28: {  	_ =	swait.ge [sflag:s4], $0x4000;
	s31 =	sshll.u32 s7, $0xE;
	p1 =	por $0x0, $0x0  }
0x29: {  	s22 =	simm.s32 $0x0;
	s23 =	simm.s32 $0x0;
	s16 =	simm.s32 @!p0 $0x0  }
0x2a: {  	[sflag:s4] =	ssyncset.done $0x0;
	s19 =	sand.u32 $0x4000, s31;
	s16 =	sshll.u32 s16, $0x10  }
0x2b: {  	[sflag:s4] =	ssyncadd.s32 $0xFFFFC000;
	s20 =	sshrl.u32 s16, $0x2;
	s16 =	sor.u32 $0x8000, s19  }
0x2c: {  	s17 =	sor.u32 $0x40, s20;
	s18 =	sor.u32 $0x8410, s20;
	s20 =	sadd.s32 $0x8400, s20  }
.LBB1_3:
0x2d: {  	v1 =	vld [tilespmem:s17+$0xFFFFFFD0]  }
0x2e: {  	v2 =	vld [tilespmem:s17+$0x430]  }
0x2f: {  	s24 =	sshll.u32 s23, $0xB;
	v4 =	vld [tilespmem:s17+$0xFFFFFFE0]  }
0x30: {  	v7 =	vld [tilespmem:s17+$0xFFFFFFF0];
	v0 =	vmov s24  }
0x31: {  	v8 =	vld [tilespmem:s17+$0x0]  }
0x32: {  	s30 =	sand.u32 $0x300, s21;
	v9 =	vld [tilespmem:s17+$0x10]  }
0x33: {  	s25 =	sand.u32 $0x80, s21;
	v10 =	vld [tilespmem:s17+$0x20];
	s24 =	sadd.s32 s30, s19  }
0x34: {  	v11 =	vld [tilespmem:s17+$0x30];
	s24 =	sadd.s32 s25, s24;
	s25 =	simm.s32 $0x1;
	[tilespmem:s18+$0x60] =	vst v2  }
0x35: {  	s31 =	sshll.u32 s22, $0x2;
	s25 =	simm.s32 @!p1 $0x0;
	[tilespmem:s18+$0xFFFFFC00] =	vst v1;
	v3 =	vld.idx.msk [tilespmem:v0+s24+$0x400 ss:$0x1], $0xffff  }
0x36: {  	v6 =	vld [tilespmem:s17+$0x3D0];
	s25 =	sshll.u32 s25, $0x9;
	[tilespmem:s18+$0xFFFFFC10] =	vst v4;
	s24 =	sand.u32 $0xFFFFFC00, s31  }
0x37: {  	v5 =	vld [tilespmem:s17+$0x3E0];
	[tilespmem:s18+$0xFFFFFC20] =	vst v7;
	s24 =	sor.u32 s25, s24  }
0x38: {  	[tilespmem:s18+$0xFFFFFC30] =	vst v8;
	v4 =	vld [tilespmem:s17+$0x400];
	s24 =	sshrl.u32 s24, $0x2  }
0x39: {  	[tilespmem:s18+$0xFFFFFC40] =	vst v9;
	v1 =	vld [tilespmem:s17+$0x410];
	s24 =	sadd.s32 s24, s20  }
0x3a: {  	[tilespmem:s24+$0x0] =	vst v3;
	v3 =	vld [tilespmem:s17+$0x3F0]  }
0x3b: {  	s28 =	simm.s32 $0x80;
	s27 =	simm.s32 $0x100;
	[tilespmem:s18+$0xFFFFFC50] =	vst v10;
	v2 =	vld [tilespmem:s17+$0x420]  }
0x3c: {  	s26 =	smov.u32 s18;
	s29 =	sand.u32 $0x300, s28;
	v7 =	vld [tilespmem:s17+$0xFFFFFFC0];
	[tilespmem:s18+$0xFFFFFC60] =	vst v11;
	s25 =	sadd.s32 $0x80, s17  }
.LBB1_4:
0x3d: {  	p2 =	sne.s32 s27, $0x380;
	v8 =	vld [tilespmem:s25+$0xFFFFFFD0];
	s28 =	sand.u32 $0x80, s28;
	s29 =	sadd.s32 s29, s19;
	[tilespmem:s26+$0x0] =	vst v6  }
0x3e: {  	s29 =	sadd.s32 s28, s29;
	v6 =	vld [tilespmem:s25+$0x430];
	[tilespmem:s26+$0x10] =	vst v5;
	s28 =	smov.u32 s27  }
0x3f: {  	v5 =	vld.idx.msk [tilespmem:v0+s29+$0x400 ss:$0x1], $0xffff;
	[tilespmem:s26+$0x20] =	vst v3  }
0x40: {  	v3 =	vld [tilespmem:s25+$0xFFFFFFE0];
	[tilespmem:s26+$0x30] =	vst v4  }
0x41: {  	v4 =	vld [tilespmem:s25+$0xFFFFFFF0];
	[tilespmem:s26+$0xFFFFFBF0] =	vst v7  }
0x42: {  	v7 =	vld [tilespmem:s25+$0x0];
	[tilespmem:s26+$0x40] =	vst v1  }
0x43: {  	v1 =	vld [tilespmem:s25+$0x10];
	[tilespmem:s26+$0x50] =	vst v2;
	s26 =	sadd.s32 $0x800, s26  }
0x44: {  	s24 =	sadd.s32 $0x800, s24;
	v2 =	vld [tilespmem:s25+$0x20];
	[tilespmem:s26+$0x60] =	vst v6  }
0x45: {  	v9 =	vld [tilespmem:s25+$0x30];
	[tilespmem:s24+$0x0] =	vst v5  }
0x46: {  	[tilespmem:s26+$0xFFFFFC00] =	vst v8;
	v6 =	vld [tilespmem:s25+$0x3D0]  }
0x47: {  	[tilespmem:s26+$0xFFFFFC10] =	vst v3;
	v5 =	vld [tilespmem:s25+$0x3E0]  }
.Ltmp3:
0x48: {  	[tilespmem:s26+$0xFFFFFC20] =	vst v4;
	v3 =	vld [tilespmem:s25+$0x3F0];
	(pc) =	sbr.rel @p2 .LBB1_4-.Ltmp3, $4  }
0x49: {  	[tilespmem:s26+$0xFFFFFC30] =	vst v7;
	v4 =	vld [tilespmem:s25+$0x400]  }
0x4a: {  	[tilespmem:s26+$0xFFFFFC40] =	vst v1;
	v1 =	vld [tilespmem:s25+$0x410]  }
0x4b: {  	[tilespmem:s26+$0xFFFFFC50] =	vst v2;
	v2 =	vld [tilespmem:s25+$0x420]  }
0x4c: {  	s27 =	sadd.s32 $0x80, s27;
	s29 =	sand.u32 $0x300, s28;
	v7 =	vld [tilespmem:s25+$0xFFFFFFC0];
	[tilespmem:s26+$0xFFFFFC60] =	vst v9;
	s25 =	sadd.s32 $0x80, s25  }
0x4d: {  	[tilespmem:s26+$0x0] =	vst v6  }
0x4e: {  	[tilespmem:s26+$0x10] =	vst v5  }
0x4f: {  	v49 =	vld [tilespmem:s25+$0x430];
	[tilespmem:s26+$0x20] =	vst v3  }
0x50: {  	v50 =	vld [tilespmem:s25+$0xFFFFFFD0];
	[tilespmem:s26+$0x30] =	vst v4  }
0x51: {  	v51 =	vld [tilespmem:s25+$0xFFFFFFE0];
	[tilespmem:s26+$0x40] =	vst v1  }
0x52: {  	v52 =	vld [tilespmem:s25+$0xFFFFFFF0];
	[tilespmem:s26+$0x50] =	vst v2  }
0x53: {  	s31 =	sadd.s32 $0x800, s26;
	v53 =	vld [tilespmem:s25+$0x0];
	[tilespmem:s26+$0xFFFFFBF0] =	vst v7  }
0x54: {  	v54 =	vld [tilespmem:s25+$0x10];
	[tilespmem:s31+$0x60] =	vst v49  }
0x55: {  	v55 =	vld [tilespmem:s25+$0x20];
	[tilespmem:s31+$0xFFFFFC00] =	vst v50  }
0x56: {  	v56 =	vld [tilespmem:s25+$0x30];
	[tilespmem:s31+$0xFFFFFC10] =	vst v51  }
0x57: {  	v57 =	vld [tilespmem:s25+$0x3D0];
	[tilespmem:s31+$0xFFFFFC20] =	vst v52  }
0x58: {  	v58 =	vld [tilespmem:s25+$0x3E0];
	[tilespmem:s31+$0xFFFFFC30] =	vst v53  }
0x59: {  	v59 =	vld [tilespmem:s25+$0x3F0];
	[tilespmem:s31+$0xFFFFFC40] =	vst v54  }
0x5a: {  	v60 =	vld [tilespmem:s25+$0x400];
	[tilespmem:s31+$0xFFFFFC50] =	vst v55  }
0x5b: {  	v61 =	vld [tilespmem:s25+$0xFFFFFFC0];
	[tilespmem:s31+$0xFFFFFC60] =	vst v56  }
0x5c: {  	s27 =	sand.u32 $0x80, s28;
	s30 =	sadd.s32 s29, s19;
	v62 =	vld [tilespmem:s25+$0x410];
	[tilespmem:s31+$0x0] =	vst v57  }
0x5d: {  	v63 =	vld [tilespmem:s25+$0x420];
	s23 =	sadd.s32 $0x1, s23;
	s27 =	sadd.s32 s27, s30;
	[tilespmem:s31+$0x10] =	vst v58  }
0x5e: {  	p2 =	sne.s32 s23, $0x8;
	v0 =	vld.idx.msk [tilespmem:v0+s27+$0x400 ss:$0x1], $0xffff;
	[tilespmem:s31+$0x20] =	vst v59  }
.Ltmp4:
0x5f: {  	[tilespmem:s31+$0x30] =	vst v60;
	(pc) =	sbr.rel @p2 .LBB1_3-.Ltmp4, $4  }
0x60: {  	[tilespmem:s31+$0xFFFFFBF0] =	vst v61  }
0x61: {  	[tilespmem:s31+$0x40] =	vst v62  }
0x62: {  	s24 =	sadd.s32 $0x800, s24;
	s17 =	sadd.s32 $0x800, s17;
	[tilespmem:s31+$0x50] =	vst v63  }
0x63: {  	s22 =	sadd.s32 $0x80, s22;
	p1 =	por !p1, !p1;
	s18 =	sadd.s32 $0x80, s18;
	[tilespmem:s24+$0x0] =	vst v0  }
0x64: {  	s17 =	sshll.u32 s14, $0xA  }
0x65: {  	s18 =	sshll.u32 s12, $0x3;
	s17 =	sand.u32 $0xFFFFE000, s17  }
0x66: {  	s17 =	sadd.s32 s17, s18  }
0x67: {  	s15 =	smul.u32 $0x1A000, s15;
	s17 =	sshrl.u32 s17, $0xA  }
0x68: {  	s28 =	smulhi.u32 $0x2762763, s17  }
0x69: {  	s29 =	sshll.u32 s14, $0x7;
	s19 =	sand.u32 $0x78, s12;
	s13 =	smul.u32 $0x3400, s13  }
0x6a: {  	s30 =	sand.u32 $0x7, s12;
	s14 =	sand.u32 $0x380, s29;
	s18 =	smul.u32 $0x68, s28  }
.Ltmp5:
0x6b: {  	s14 =	sor.u32 s14, s19;
	s15 =	sadd.s32 s3, s15;
	(pc) =	sbr.rel .LBB1_7-.Ltmp5, $4  }
0x6c: {  	s14 =	sshrl.u32 s14, $0x3;
	s13 =	sadd.s32 s13, s15;
	s17 =	ssub.s32 s17, s18  }
0x6d: {  	s12 =	sshll.u32 s30, $0x12;
	s13 =	sadd.s32 s14, s13;
	s31 =	sshll.u32 s17, $0x7  }
0x6e: {  	s12 =	sor.u32 $0x800, s12;
	s13 =	sadd.s32 s31, s13  }
0x6f: {  	[hbm4b:s13+s12] =	stream.strided.scatter [tilespmem:s16], [sflag:$0x2], $0x4000, s6, s12, $0x38;
	[tilespmem:$0x10000] =	vst v63  }
.LBB1_8:
0x70: {  	_ =	sfence.sel $0x180000  }
0x71: {  	s2 =	simm.s32 $0x1;
	[bflag:$0x0] =	sbarrier.arrive $0xFFFF  }
0x72: {  	s31 =	simm.s32 $0x2;
	[sflag:s2] =	ssyncpa.u1 $0x1  }
0x73: {  	[sflag:s31] =	ssyncpa.u1 $0x1  }
0x74: {  	p0 =	sne.s32 s1, $0x0;
	_ =	strace $0x90000047  }
0x75: {  	s0 =	sadd.s32 @!p0 $0x100000, s0;
	[bflag:$0x2] =	sbarrier.arrive $0xFFFF  }
0x76: {  	[sflag:s0] =	ssyncadd.tile.s32 @!p0 $0x1;
	_ =	shalt  }
.Lfunc_end1:
_tile_overlayer_lowered:
.L_overlay_start_2:
0x77: {  	(tag) =	ssettag $0x2  }
0x78: {  	s0 =	rddreg [dreg:$0x0];
	s2 =	stileid.u32  }
0x79: {  	s1 =	rddreg [dreg:$0x1];
	p0 =	sne.s32 s2, $0x0  }
0x7a: {  	s3 =	rddreg [dreg:$0x2];
	[bflag:$0x3] =	sbarrier.arrive $0xFFFF;
	s2 =	simm.s32 @!p0 $0x1C01  }
0x7b: {  	[timem:s3], [sflag:s2] =	dma.local @!p0 [hbm:s0], s1  }
0x7c: {  	s0 =	simm.s32 @!p0 $0x1  }
0x7d: {  	_ =	swait.ge @!p0 [sflag:s0], s1  }
0x7e: {  	s1 =	ssub.s32 @!p0 $0x0, s1;
	[sflag:s0] =	ssyncset.done @!p0 $0x0  }
0x7f: {  	[sflag:s0] =	ssyncadd.s32 @!p0 s1  }
0x80: {  	[bflag:$0x3] =	sbarrier.arrive $0xFFFF  }
0x81: {  	_ =	shalt  }

</sc_bundles>
